<compile_context>
chip_gen: v7x
topology: tpu7x:2x2x1
jax: 0.10.2.dev20260603
libtpu: 0.0.44.dev20260713+nightly
codegen_flags: <defaults>
</compile_context>

<pallas_src>
import functools

import numpy as np
import jax
import jax.numpy as jnp
from jax import lax
from jax.experimental import pallas as pl
from jax.experimental.pallas import tpu as pltpu
from jax.experimental.pallas import tpu_sc as plsc

_ROTATIONS = ((13, 15, 26, 6), (17, 29, 16, 24))
_PARITY = np.uint32(0x1BD11BDA)
_THRESH_BITS = np.uint32(858993663)


def _np_threefry2x32(k0, k1, x0, x1):
    k0 = np.uint32(k0)
    k1 = np.uint32(k1)
    ks = (k0, k1, np.uint32(k0 ^ k1 ^ _PARITY))
    x0 = (x0 + ks[0]).astype(np.uint32)
    x1 = (x1 + ks[1]).astype(np.uint32)
    for i in range(5):
        for r in _ROTATIONS[i % 2]:
            x0 = (x0 + x1).astype(np.uint32)
            x1 = ((x1 << np.uint32(r)) | (x1 >> np.uint32(32 - r))).astype(np.uint32)
            x1 = x1 ^ x0
        x0 = (x0 + ks[(i + 1) % 3]).astype(np.uint32)
        x1 = (x1 + ks[(i + 2) % 3] + np.uint32(i + 1)).astype(np.uint32)
    return x0, x1


def _child_keys(seed, num):
    lo = np.arange(num, dtype=np.uint32)
    hi = np.zeros(num, dtype=np.uint32)
    y0, y1 = _np_threefry2x32(np.uint32(seed >> 32), np.uint32(seed & 0xFFFFFFFF), hi, lo)
    return np.stack([y0, y1], axis=-1)


_KEYS = _child_keys(42, 4)

_B, _S, _C = 4, 4096, 2048
_NC, _NS = 2, 16
_NW = _NC * _NS
_ROWS_PER_W = (_B * _S) // _NW
_R_CHUNK = 8
_GROUPS = _C // 16


def _sc_body(x_hbm, o_hbm, buf):
    c_idx = lax.axis_index("c")
    s_idx = lax.axis_index("s")
    wid = s_idx * _NC + c_idx
    b = wid // (_NW // _B)

    k0 = jnp.uint32(_KEYS[0, 0])
    k1 = jnp.uint32(_KEYS[0, 1])
    for bb in range(1, _B):
        k0 = jnp.where(b == bb, jnp.uint32(_KEYS[bb, 0]), k0)
        k1 = jnp.where(b == bb, jnp.uint32(_KEYS[bb, 1]), k1)
    ks2 = k0 ^ k1 ^ _PARITY
    ks = (k0, k1, ks2)

    col16 = lax.iota(jnp.uint32, 16)
    row0w = wid * _ROWS_PER_W
    inbatch0 = row0w - b * _S

    def chunk_body(ci, carry):
        row0 = row0w + ci * _R_CHUNK
        pltpu.sync_copy(x_hbm.at[pl.ds(row0, _R_CHUNK)], buf)

        def grp_body(j, carry2):
            r = j // _GROUPS
            g = j - r * _GROUPS
            base = (inbatch0 + ci * _R_CHUNK + r) * _C + g * 16
            x1 = col16 + (ks[1] + base.astype(jnp.uint32))
            x0 = jnp.zeros((16,), jnp.uint32) + ks[0]
            for rr in range(5):
                for rot in _ROTATIONS[rr % 2]:
                    x0 = x0 + x1
                    x1 = (x1 << jnp.uint32(rot)) ^ (x1 >> jnp.uint32(32 - rot)) ^ x0
                x0 = x0 + ks[(rr + 1) % 3]
                x1 = x1 + (ks[(rr + 2) % 3] + jnp.uint32(rr + 1))
            bits = x0 ^ x1
            keep = bits > _THRESH_BITS
            v = buf[r, pl.ds(g * 16, 16)]
            buf[r, pl.ds(g * 16, 16)] = jnp.where(keep, v, jnp.float32(0.0))
            return carry2

        lax.fori_loop(0, _R_CHUNK * _GROUPS, grp_body, 0)
        pltpu.sync_copy(buf, o_hbm.at[pl.ds(row0, _R_CHUNK)])
        return carry

    lax.fori_loop(0, _ROWS_PER_W // _R_CHUNK, chunk_body, 0)


@jax.jit
def kernel(x):
    B, S, C = x.shape
    xf = x.reshape(B * S, C)
    mesh = plsc.VectorSubcoreMesh(core_axis_name="c", subcore_axis_name="s")
    out = pl.kernel(
        _sc_body,
        mesh=mesh,
        out_type=jax.ShapeDtypeStruct((B * S, C), jnp.float32),
        scratch_types=[pltpu.VMEM((_R_CHUNK, C), jnp.float32)],
    )(xf)
    return out.reshape(B, S, C)

# --- scband reference (transcript-rebuilt; emitter-appended) ---
"""Pipeline reference for scband-transformer-masking-matrix-24283745091960 (READ-ONLY COPY).

The authoritative reference and input builder live on the scoring server;
editing this copy changes nothing except your own understanding.
"""

import jax, jax.numpy as jnp
import numpy as np

P_BASE = 0.2


def setup_inputs(seed: int = 0) -> dict:
    key = jax.random.key(seed)
    x = jax.random.normal(key, (4, 4096, 2048), dtype=jnp.float32)
    return {"x": x}


def reference(x):
    # Faithful translation of TransformerMaskingMatrix._apply_mask_to_input for 3D input
    # (the computation TMM injects via forward_pre_hook; the module's own forward()
    # intentionally raises NotImplementedError).
    # torch: for each batch b, mask = (rand(S, C) > p_base).float(); out[b] = x[b] * mask
    B, S, C = x.shape
    key = jax.random.key(42)
    keys = jax.random.split(key, B)
    masks = jnp.stack(
        [(jax.random.uniform(keys[b], (S, C), dtype=jnp.float32) > P_BASE).astype(jnp.float32) for b in range(B)],
        axis=0,
    )
    return x * masks

if __name__ == "__main__":
    import jax
    _d = setup_inputs()
    print(jax.jit(kernel)(*tuple(_d.values())))

</pallas_src>

<mosaic_0001>
#map = affine_map<(d0, d1) -> (0, 0)>
module attributes {stable_mosaic.version = 14 : i64} {
  func.func @_sc_body(%arg0: i32, %arg1: i32, %arg2: memref<16384x2048xf32, #tpu.memory_space<hbm>>, %arg3: memref<16384x2048xf32, #tpu.memory_space<hbm>>, %arg4: memref<8x2048xf32, #tpu.memory_space<vmem>>) attributes {dimension_semantics = [#tpu.dimension_semantics<core_parallel>, #tpu.dimension_semantics<subcore_parallel>], iteration_bounds = array<i64: 2, 16>, scalar_prefetch = 0 : i64, scratch_operands = 1 : i64, tpu.core_type = #tpu.core_type<sc_vector_subcore>, window_params = [{transform_indices = #map}, {transform_indices = #map}]} {
    %mul3A = arith.constant 2 : i32
    %mul3A_0 = arith.muli %arg1, %mul3A : i32
    %add3A = arith.addi %mul3A_0, %arg0 : i32
    %jit3A = arith.constant 8 : i32
    %div3A = arith.divsi %add3A, %jit3A : i32
    %sign3A = arith.constant 0 : i32
    %sign3A_1 = arith.cmpi sgt, %add3A, %sign3A : i32
    %sign3A_2 = arith.extui %sign3A_1 : i1 to i32
    %sign3A_3 = arith.constant 0 : i32
    %sign3A_4 = arith.cmpi slt, %add3A, %sign3A_3 : i32
    %sign3A_5 = arith.extui %sign3A_4 : i1 to i32
    %sign3A_6 = arith.subi %sign3A_2, %sign3A_5 : i32
    %sign3A_7 = arith.constant 0 : i32
    %sign3A_8 = arith.cmpi sgt, %jit3A, %sign3A_7 : i32
    %sign3A_9 = arith.extui %sign3A_8 : i1 to i32
    %sign3A_10 = arith.constant 0 : i32
    %sign3A_11 = arith.cmpi slt, %jit3A, %sign3A_10 : i32
    %sign3A_12 = arith.extui %sign3A_11 : i1 to i32
    %sign3A_13 = arith.subi %sign3A_9, %sign3A_12 : i32
    %ne3A = arith.cmpi ne, %sign3A_6, %sign3A_13 : i32
    %rem3A = arith.remsi %add3A, %jit3A : i32
    %ne3A_14 = arith.constant 0 : i32
    %ne3A_15 = arith.cmpi ne, %rem3A, %ne3A_14 : i32
    %and3A = arith.andi %ne3A, %ne3A_15 : i1
    %sub3A = arith.constant 1 : i32
    %sub3A_16 = arith.subi %div3A, %sub3A : i32
    %select_n3A = arith.select %and3A, %sub3A_16, %div3A : i32
    %eq3A = arith.constant 1 : i32
    %eq3A_17 = arith.cmpi eq, %select_n3A, %eq3A : i32
    %jit3A_18 = arith.constant 64467757 : i32
    %jit3A_19 = arith.constant 1832780943 : i32
    %select_n3A_20 = arith.select %eq3A_17, %jit3A_18, %jit3A_19 : i32
    %eq3A_21 = arith.constant 1 : i32
    %eq3A_22 = arith.cmpi eq, %select_n3A, %eq3A_21 : i32
    %jit3A_23 = arith.constant -1378843660 : i32
    %jit3A_24 = arith.constant 270669613 : i32
    %select_n3A_25 = arith.select %eq3A_22, %jit3A_23, %jit3A_24 : i32
    %eq3A_26 = arith.constant 2 : i32
    %eq3A_27 = arith.cmpi eq, %select_n3A, %eq3A_26 : i32
    %jit3A_28 = arith.constant -1829035798 : i32
    %select_n3A_29 = arith.select %eq3A_27, %jit3A_28, %select_n3A_20 : i32
    %eq3A_30 = arith.constant 2 : i32
    %eq3A_31 = arith.cmpi eq, %select_n3A, %eq3A_30 : i32
    %jit3A_32 = arith.constant 255383827 : i32
    %select_n3A_33 = arith.select %eq3A_31, %jit3A_32, %select_n3A_25 : i32
    %eq3A_34 = arith.constant 3 : i32
    %eq3A_35 = arith.cmpi eq, %select_n3A, %eq3A_34 : i32
    %jit3A_36 = arith.constant -1160419002 : i32
    %select_n3A_37 = arith.select %eq3A_35, %jit3A_36, %select_n3A_29 : i32
    %eq3A_38 = arith.constant 3 : i32
    %eq3A_39 = arith.cmpi eq, %select_n3A, %eq3A_38 : i32
    %jit3A_40 = arith.constant 894150801 : i32
    %select_n3A_41 = arith.select %eq3A_39, %jit3A_40, %select_n3A_33 : i32
    %xor3A = arith.xori %select_n3A_37, %select_n3A_41 : i32
    %xor3A_42 = arith.constant 466688986 : i32
    %xor3A_43 = arith.xori %xor3A, %xor3A_42 : i32
    %iota3A = tpu.iota {dimensions = array<i32: 0>} : vector<16xi32>
    %mul3A_44 = arith.constant 512 : i32
    %mul3A_45 = arith.muli %add3A, %mul3A_44 : i32
    %mul3A_46 = arith.constant 4096 : i32
    %mul3A_47 = arith.muli %select_n3A, %mul3A_46 : i32
    %sub3A_48 = arith.subi %mul3A_45, %mul3A_47 : i32
    %scan3A = arith.constant 0 : i32
    %scan3A_49 = arith.constant 0 : i32
    %scan3A_50 = arith.constant 64 : i32
    %scan3A_51 = arith.addi %scan3A_49, %scan3A_50 : i32
    %scan3A_52 = arith.constant 1 : i32
    scf.for %scan3A_54 = %scan3A_49 to %scan3A_51 step %scan3A_52  : i32 {
      %mul3A_55 = arith.constant 8 : i32
      %mul3A_56 = arith.muli %scan3A_54, %mul3A_55 : i32
      %add3A_57 = arith.addi %mul3A_45, %mul3A_56 : i32
      "tpu.region"() ({
        %run_scoped3A = tpu.sem_alloc : memref<!tpu.dma_semaphore, #tpu.memory_space<semaphore_mem>>
        %dma_start3A = arith.constant 0 : i32
        %dma_start3A_64 = tpu.memref_slice %arg2[%add3A_57, %dma_start3A] : memref<16384x2048xf32, #tpu.memory_space<hbm>> -> memref<8x2048xf32, #tpu.memory_space<hbm>>
        %dma_start3A_65 = arith.constant 0 : i32
        %dma_start3A_66 = tpu.memref_slice %arg2[%add3A_57, %dma_start3A_65] : memref<16384x2048xf32, #tpu.memory_space<hbm>> -> memref<8x2048xf32, #tpu.memory_space<hbm>>
        tpu.enqueue_dma source(%dma_start3A_66 : memref<8x2048xf32, #tpu.memory_space<hbm>>) target(%arg4 : memref<8x2048xf32, #tpu.memory_space<vmem>>) target_semaphore(%run_scoped3A : memref<!tpu.dma_semaphore, #tpu.memory_space<semaphore_mem>>)
        %dma_wait3A = arith.constant 0 : i32
        %dma_wait3A_67 = tpu.memref_slice %arg2[%add3A_57, %dma_wait3A] : memref<16384x2048xf32, #tpu.memory_space<hbm>> -> memref<8x2048xf32, #tpu.memory_space<hbm>>
        %dma_wait3A_68 = arith.constant 0 : i32
        %dma_wait3A_69 = tpu.memref_slice %arg2[%add3A_57, %dma_wait3A_68] : memref<16384x2048xf32, #tpu.memory_space<hbm>> -> memref<8x2048xf32, #tpu.memory_space<hbm>>
        tpu.wait_dma2 semaphore(%run_scoped3A : memref<!tpu.dma_semaphore, #tpu.memory_space<semaphore_mem>>) src(%dma_wait3A_69 : memref<8x2048xf32, #tpu.memory_space<hbm>>) dst(%arg4 : memref<8x2048xf32, #tpu.memory_space<vmem>>)
        tpu.yield
      }) : () -> ()
      %scan3A_58 = arith.constant 0 : i32
      %scan3A_59 = arith.constant 0 : i32
      %scan3A_60 = arith.constant 1024 : i32
      %scan3A_61 = arith.addi %scan3A_59, %scan3A_60 : i32
      %scan3A_62 = arith.constant 1 : i32
      scf.for %scan3A_64 = %scan3A_59 to %scan3A_61 step %scan3A_62  : i32 {
        %jit3A_65 = arith.constant 128 : i32
        %div3A_66 = arith.divsi %scan3A_64, %jit3A_65 : i32
        %sign3A_67 = arith.constant 0 : i32
        %sign3A_68 = arith.cmpi sgt, %scan3A_64, %sign3A_67 : i32
        %sign3A_69 = arith.extui %sign3A_68 : i1 to i32
        %sign3A_70 = arith.constant 0 : i32
        %sign3A_71 = arith.cmpi slt, %scan3A_64, %sign3A_70 : i32
        %sign3A_72 = arith.extui %sign3A_71 : i1 to i32
        %sign3A_73 = arith.subi %sign3A_69, %sign3A_72 : i32
        %sign3A_74 = arith.constant 0 : i32
        %sign3A_75 = arith.cmpi sgt, %jit3A_65, %sign3A_74 : i32
        %sign3A_76 = arith.extui %sign3A_75 : i1 to i32
        %sign3A_77 = arith.constant 0 : i32
        %sign3A_78 = arith.cmpi slt, %jit3A_65, %sign3A_77 : i32
        %sign3A_79 = arith.extui %sign3A_78 : i1 to i32
        %sign3A_80 = arith.subi %sign3A_76, %sign3A_79 : i32
        %ne3A_81 = arith.cmpi ne, %sign3A_73, %sign3A_80 : i32
        %rem3A_82 = arith.remsi %scan3A_64, %jit3A_65 : i32
        %ne3A_83 = arith.constant 0 : i32
        %ne3A_84 = arith.cmpi ne, %rem3A_82, %ne3A_83 : i32
        %and3A_85 = arith.andi %ne3A_81, %ne3A_84 : i1
        %sub3A_86 = arith.constant 1 : i32
        %sub3A_87 = arith.subi %div3A_66, %sub3A_86 : i32
        %select_n3A_88 = arith.select %and3A_85, %sub3A_87, %div3A_66 : i32
        %mul3A_89 = arith.constant 128 : i32
        %mul3A_90 = arith.muli %select_n3A_88, %mul3A_89 : i32
        %sub3A_91 = arith.subi %scan3A_64, %mul3A_90 : i32
        %mul3A_92 = arith.constant 8 : i32
        %mul3A_93 = arith.muli %scan3A_54, %mul3A_92 : i32
        %add3A_94 = arith.addi %sub3A_48, %mul3A_93 : i32
        %add3A_95 = arith.addi %add3A_94, %select_n3A_88 : i32
        %mul3A_96 = arith.constant 2048 : i32
        %mul3A_97 = arith.muli %add3A_95, %mul3A_96 : i32
        %mul3A_98 = arith.constant 16 : i32
        %mul3A_99 = arith.muli %sub3A_91, %mul3A_98 : i32
        %add3A_100 = arith.addi %mul3A_97, %mul3A_99 : i32
        %add3A_101 = arith.addi %select_n3A_41, %add3A_100 : i32
        %add3A_102 = vector.broadcast %add3A_101 : i32 to vector<16xi32>
        %add3A_103 = arith.addi %iota3A, %add3A_102 : vector<16xi32>
        %broadcast_in_dim3A = arith.constant 0 : i32
        %broadcast_in_dim3A_104 = vector.broadcast %broadcast_in_dim3A : i32 to vector<16xi32>
        %add3A_105 = vector.broadcast %select_n3A_37 : i32 to vector<16xi32>
        %add3A_106 = arith.addi %broadcast_in_dim3A_104, %add3A_105 : vector<16xi32>
        %add3A_107 = arith.addi %add3A_106, %add3A_103 : vector<16xi32>
        %shift_left3A = arith.constant 13 : i32
        %shift_left3A_108 = vector.broadcast %shift_left3A : i32 to vector<16xi32>
        %shift_left3A_109 = arith.shli %add3A_103, %shift_left3A_108 : vector<16xi32>
        %shift_right_logical3A = arith.constant 19 : i32
        %shift_right_logical3A_110 = vector.broadcast %shift_right_logical3A : i32 to vector<16xi32>
        %shift_right_logical3A_111 = arith.shrui %add3A_103, %shift_right_logical3A_110 : vector<16xi32>
        %xor3A_112 = arith.xori %shift_left3A_109, %shift_right_logical3A_111 : vector<16xi32>
        %xor3A_113 = arith.xori %xor3A_112, %add3A_107 : vector<16xi32>
        %add3A_114 = arith.addi %add3A_107, %xor3A_113 : vector<16xi32>
        %shift_left3A_115 = arith.constant 15 : i32
        %shift_left3A_116 = vector.broadcast %shift_left3A_115 : i32 to vector<16xi32>
        %shift_left3A_117 = arith.shli %xor3A_113, %shift_left3A_116 : vector<16xi32>
        %shift_right_logical3A_118 = arith.constant 17 : i32
        %shift_right_logical3A_119 = vector.broadcast %shift_right_logical3A_118 : i32 to vector<16xi32>
        %shift_right_logical3A_120 = arith.shrui %xor3A_113, %shift_right_logical3A_119 : vector<16xi32>
        %xor3A_121 = arith.xori %shift_left3A_117, %shift_right_logical3A_120 : vector<16xi32>
        %xor3A_122 = arith.xori %xor3A_121, %add3A_114 : vector<16xi32>
        %add3A_123 = arith.addi %add3A_114, %xor3A_122 : vector<16xi32>
        %shift_left3A_124 = arith.constant 26 : i32
        %shift_left3A_125 = vector.broadcast %shift_left3A_124 : i32 to vector<16xi32>
        %shift_left3A_126 = arith.shli %xor3A_122, %shift_left3A_125 : vector<16xi32>
        %shift_right_logical3A_127 = arith.constant 6 : i32
        %shift_right_logical3A_128 = vector.broadcast %shift_right_logical3A_127 : i32 to vector<16xi32>
        %shift_right_logical3A_129 = arith.shrui %xor3A_122, %shift_right_logical3A_128 : vector<16xi32>
        %xor3A_130 = arith.xori %shift_left3A_126, %shift_right_logical3A_129 : vector<16xi32>
        %xor3A_131 = arith.xori %xor3A_130, %add3A_123 : vector<16xi32>
        %add3A_132 = arith.addi %add3A_123, %xor3A_131 : vector<16xi32>
        %shift_left3A_133 = arith.constant 6 : i32
        %shift_left3A_134 = vector.broadcast %shift_left3A_133 : i32 to vector<16xi32>
        %shift_left3A_135 = arith.shli %xor3A_131, %shift_left3A_134 : vector<16xi32>
        %shift_right_logical3A_136 = arith.constant 26 : i32
        %shift_right_logical3A_137 = vector.broadcast %shift_right_logical3A_136 : i32 to vector<16xi32>
        %shift_right_logical3A_138 = arith.shrui %xor3A_131, %shift_right_logical3A_137 : vector<16xi32>
        %xor3A_139 = arith.xori %shift_left3A_135, %shift_right_logical3A_138 : vector<16xi32>
        %xor3A_140 = arith.xori %xor3A_139, %add3A_132 : vector<16xi32>
        %add3A_141 = vector.broadcast %select_n3A_41 : i32 to vector<16xi32>
        %add3A_142 = arith.addi %add3A_132, %add3A_141 : vector<16xi32>
        %add3A_143 = arith.constant 1 : i32
        %add3A_144 = arith.addi %xor3A_43, %add3A_143 : i32
        %add3A_145 = vector.broadcast %add3A_144 : i32 to vector<16xi32>
        %add3A_146 = arith.addi %xor3A_140, %add3A_145 : vector<16xi32>
        %add3A_147 = arith.addi %add3A_142, %add3A_146 : vector<16xi32>
        %shift_left3A_148 = arith.constant 17 : i32
        %shift_left3A_149 = vector.broadcast %shift_left3A_148 : i32 to vector<16xi32>
        %shift_left3A_150 = arith.shli %add3A_146, %shift_left3A_149 : vector<16xi32>
        %shift_right_logical3A_151 = arith.constant 15 : i32
        %shift_right_logical3A_152 = vector.broadcast %shift_right_logical3A_151 : i32 to vector<16xi32>
        %shift_right_logical3A_153 = arith.shrui %add3A_146, %shift_right_logical3A_152 : vector<16xi32>
        %xor3A_154 = arith.xori %shift_left3A_150, %shift_right_logical3A_153 : vector<16xi32>
        %xor3A_155 = arith.xori %xor3A_154, %add3A_147 : vector<16xi32>
        %add3A_156 = arith.addi %add3A_147, %xor3A_155 : vector<16xi32>
        %shift_left3A_157 = arith.constant 29 : i32
        %shift_left3A_158 = vector.broadcast %shift_left3A_157 : i32 to vector<16xi32>
        %shift_left3A_159 = arith.shli %xor3A_155, %shift_left3A_158 : vector<16xi32>
        %shift_right_logical3A_160 = arith.constant 3 : i32
        %shift_right_logical3A_161 = vector.broadcast %shift_right_logical3A_160 : i32 to vector<16xi32>
        %shift_right_logical3A_162 = arith.shrui %xor3A_155, %shift_right_logical3A_161 : vector<16xi32>
        %xor3A_163 = arith.xori %shift_left3A_159, %shift_right_logical3A_162 : vector<16xi32>
        %xor3A_164 = arith.xori %xor3A_163, %add3A_156 : vector<16xi32>
        %add3A_165 = arith.addi %add3A_156, %xor3A_164 : vector<16xi32>
        %shift_left3A_166 = arith.constant 16 : i32
        %shift_left3A_167 = vector.broadcast %shift_left3A_166 : i32 to vector<16xi32>
        %shift_left3A_168 = arith.shli %xor3A_164, %shift_left3A_167 : vector<16xi32>
        %shift_right_logical3A_169 = arith.constant 16 : i32
        %shift_right_logical3A_170 = vector.broadcast %shift_right_logical3A_169 : i32 to vector<16xi32>
        %shift_right_logical3A_171 = arith.shrui %xor3A_164, %shift_right_logical3A_170 : vector<16xi32>
        %xor3A_172 = arith.xori %shift_left3A_168, %shift_right_logical3A_171 : vector<16xi32>
        %xor3A_173 = arith.xori %xor3A_172, %add3A_165 : vector<16xi32>
        %add3A_174 = arith.addi %add3A_165, %xor3A_173 : vector<16xi32>
        %shift_left3A_175 = arith.constant 24 : i32
        %shift_left3A_176 = vector.broadcast %shift_left3A_175 : i32 to vector<16xi32>
        %shift_left3A_177 = arith.shli %xor3A_173, %shift_left3A_176 : vector<16xi32>
        %shift_right_logical3A_178 = arith.constant 8 : i32
        %shift_right_logical3A_179 = vector.broadcast %shift_right_logical3A_178 : i32 to vector<16xi32>
        %shift_right_logical3A_180 = arith.shrui %xor3A_173, %shift_right_logical3A_179 : vector<16xi32>
        %xor3A_181 = arith.xori %shift_left3A_177, %shift_right_logical3A_180 : vector<16xi32>
        %xor3A_182 = arith.xori %xor3A_181, %add3A_174 : vector<16xi32>
        %add3A_183 = vector.broadcast %xor3A_43 : i32 to vector<16xi32>
        %add3A_184 = arith.addi %add3A_174, %add3A_183 : vector<16xi32>
        %add3A_185 = arith.constant 2 : i32
        %add3A_186 = arith.addi %select_n3A_37, %add3A_185 : i32
        %add3A_187 = vector.broadcast %add3A_186 : i32 to vector<16xi32>
        %add3A_188 = arith.addi %xor3A_182, %add3A_187 : vector<16xi32>
        %add3A_189 = arith.addi %add3A_184, %add3A_188 : vector<16xi32>
        %shift_left3A_190 = arith.constant 13 : i32
        %shift_left3A_191 = vector.broadcast %shift_left3A_190 : i32 to vector<16xi32>
        %shift_left3A_192 = arith.shli %add3A_188, %shift_left3A_191 : vector<16xi32>
        %shift_right_logical3A_193 = arith.constant 19 : i32
        %shift_right_logical3A_194 = vector.broadcast %shift_right_logical3A_193 : i32 to vector<16xi32>
        %shift_right_logical3A_195 = arith.shrui %add3A_188, %shift_right_logical3A_194 : vector<16xi32>
        %xor3A_196 = arith.xori %shift_left3A_192, %shift_right_logical3A_195 : vector<16xi32>
        %xor3A_197 = arith.xori %xor3A_196, %add3A_189 : vector<16xi32>
        %add3A_198 = arith.addi %add3A_189, %xor3A_197 : vector<16xi32>
        %shift_left3A_199 = arith.constant 15 : i32
        %shift_left3A_200 = vector.broadcast %shift_left3A_199 : i32 to vector<16xi32>
        %shift_left3A_201 = arith.shli %xor3A_197, %shift_left3A_200 : vector<16xi32>
        %shift_right_logical3A_202 = arith.constant 17 : i32
        %shift_right_logical3A_203 = vector.broadcast %shift_right_logical3A_202 : i32 to vector<16xi32>
        %shift_right_logical3A_204 = arith.shrui %xor3A_197, %shift_right_logical3A_203 : vector<16xi32>
        %xor3A_205 = arith.xori %shift_left3A_201, %shift_right_logical3A_204 : vector<16xi32>
        %xor3A_206 = arith.xori %xor3A_205, %add3A_198 : vector<16xi32>
        %add3A_207 = arith.addi %add3A_198, %xor3A_206 : vector<16xi32>
        %shift_left3A_208 = arith.constant 26 : i32
        %shift_left3A_209 = vector.broadcast %shift_left3A_208 : i32 to vector<16xi32>
        %shift_left3A_210 = arith.shli %xor3A_206, %shift_left3A_209 : vector<16xi32>
        %shift_right_logical3A_211 = arith.constant 6 : i32
        %shift_right_logical3A_212 = vector.broadcast %shift_right_logical3A_211 : i32 to vector<16xi32>
        %shift_right_logical3A_213 = arith.shrui %xor3A_206, %shift_right_logical3A_212 : vector<16xi32>
        %xor3A_214 = arith.xori %shift_left3A_210, %shift_right_logical3A_213 : vector<16xi32>
        %xor3A_215 = arith.xori %xor3A_214, %add3A_207 : vector<16xi32>
        %add3A_216 = arith.addi %add3A_207, %xor3A_215 : vector<16xi32>
        %shift_left3A_217 = arith.constant 6 : i32
        %shift_left3A_218 = vector.broadcast %shift_left3A_217 : i32 to vector<16xi32>
        %shift_left3A_219 = arith.shli %xor3A_215, %shift_left3A_218 : vector<16xi32>
        %shift_right_logical3A_220 = arith.constant 26 : i32
        %shift_right_logical3A_221 = vector.broadcast %shift_right_logical3A_220 : i32 to vector<16xi32>
        %shift_right_logical3A_222 = arith.shrui %xor3A_215, %shift_right_logical3A_221 : vector<16xi32>
        %xor3A_223 = arith.xori %shift_left3A_219, %shift_right_logical3A_222 : vector<16xi32>
        %xor3A_224 = arith.xori %xor3A_223, %add3A_216 : vector<16xi32>
        %add3A_225 = vector.broadcast %select_n3A_37 : i32 to vector<16xi32>
        %add3A_226 = arith.addi %add3A_216, %add3A_225 : vector<16xi32>
        %add3A_227 = arith.constant 3 : i32
        %add3A_228 = arith.addi %select_n3A_41, %add3A_227 : i32
        %add3A_229 = vector.broadcast %add3A_228 : i32 to vector<16xi32>
        %add3A_230 = arith.addi %xor3A_224, %add3A_229 : vector<16xi32>
        %add3A_231 = arith.addi %add3A_226, %add3A_230 : vector<16xi32>
        %shift_left3A_232 = arith.constant 17 : i32
        %shift_left3A_233 = vector.broadcast %shift_left3A_232 : i32 to vector<16xi32>
        %shift_left3A_234 = arith.shli %add3A_230, %shift_left3A_233 : vector<16xi32>
        %shift_right_logical3A_235 = arith.constant 15 : i32
        %shift_right_logical3A_236 = vector.broadcast %shift_right_logical3A_235 : i32 to vector<16xi32>
        %shift_right_logical3A_237 = arith.shrui %add3A_230, %shift_right_logical3A_236 : vector<16xi32>
        %xor3A_238 = arith.xori %shift_left3A_234, %shift_right_logical3A_237 : vector<16xi32>
        %xor3A_239 = arith.xori %xor3A_238, %add3A_231 : vector<16xi32>
        %add3A_240 = arith.addi %add3A_231, %xor3A_239 : vector<16xi32>
        %shift_left3A_241 = arith.constant 29 : i32
        %shift_left3A_242 = vector.broadcast %shift_left3A_241 : i32 to vector<16xi32>
        %shift_left3A_243 = arith.shli %xor3A_239, %shift_left3A_242 : vector<16xi32>
        %shift_right_logical3A_244 = arith.constant 3 : i32
        %shift_right_logical3A_245 = vector.broadcast %shift_right_logical3A_244 : i32 to vector<16xi32>
        %shift_right_logical3A_246 = arith.shrui %xor3A_239, %shift_right_logical3A_245 : vector<16xi32>
        %xor3A_247 = arith.xori %shift_left3A_243, %shift_right_logical3A_246 : vector<16xi32>
        %xor3A_248 = arith.xori %xor3A_247, %add3A_240 : vector<16xi32>
        %add3A_249 = arith.addi %add3A_240, %xor3A_248 : vector<16xi32>
        %shift_left3A_250 = arith.constant 16 : i32
        %shift_left3A_251 = vector.broadcast %shift_left3A_250 : i32 to vector<16xi32>
        %shift_left3A_252 = arith.shli %xor3A_248, %shift_left3A_251 : vector<16xi32>
        %shift_right_logical3A_253 = arith.constant 16 : i32
        %shift_right_logical3A_254 = vector.broadcast %shift_right_logical3A_253 : i32 to vector<16xi32>
        %shift_right_logical3A_255 = arith.shrui %xor3A_248, %shift_right_logical3A_254 : vector<16xi32>
        %xor3A_256 = arith.xori %shift_left3A_252, %shift_right_logical3A_255 : vector<16xi32>
        %xor3A_257 = arith.xori %xor3A_256, %add3A_249 : vector<16xi32>
        %add3A_258 = arith.addi %add3A_249, %xor3A_257 : vector<16xi32>
        %shift_left3A_259 = arith.constant 24 : i32
        %shift_left3A_260 = vector.broadcast %shift_left3A_259 : i32 to vector<16xi32>
        %shift_left3A_261 = arith.shli %xor3A_257, %shift_left3A_260 : vector<16xi32>
        %shift_right_logical3A_262 = arith.constant 8 : i32
        %shift_right_logical3A_263 = vector.broadcast %shift_right_logical3A_262 : i32 to vector<16xi32>
        %shift_right_logical3A_264 = arith.shrui %xor3A_257, %shift_right_logical3A_263 : vector<16xi32>
        %xor3A_265 = arith.xori %shift_left3A_261, %shift_right_logical3A_264 : vector<16xi32>
        %xor3A_266 = arith.xori %xor3A_265, %add3A_258 : vector<16xi32>
        %add3A_267 = vector.broadcast %select_n3A_41 : i32 to vector<16xi32>
        %add3A_268 = arith.addi %add3A_258, %add3A_267 : vector<16xi32>
        %add3A_269 = arith.constant 4 : i32
        %add3A_270 = arith.addi %xor3A_43, %add3A_269 : i32
        %add3A_271 = vector.broadcast %add3A_270 : i32 to vector<16xi32>
        %add3A_272 = arith.addi %xor3A_266, %add3A_271 : vector<16xi32>
        %add3A_273 = arith.addi %add3A_268, %add3A_272 : vector<16xi32>
        %shift_left3A_274 = arith.constant 13 : i32
        %shift_left3A_275 = vector.broadcast %shift_left3A_274 : i32 to vector<16xi32>
        %shift_left3A_276 = arith.shli %add3A_272, %shift_left3A_275 : vector<16xi32>
        %shift_right_logical3A_277 = arith.constant 19 : i32
        %shift_right_logical3A_278 = vector.broadcast %shift_right_logical3A_277 : i32 to vector<16xi32>
        %shift_right_logical3A_279 = arith.shrui %add3A_272, %shift_right_logical3A_278 : vector<16xi32>
        %xor3A_280 = arith.xori %shift_left3A_276, %shift_right_logical3A_279 : vector<16xi32>
        %xor3A_281 = arith.xori %xor3A_280, %add3A_273 : vector<16xi32>
        %add3A_282 = arith.addi %add3A_273, %xor3A_281 : vector<16xi32>
        %shift_left3A_283 = arith.constant 15 : i32
        %shift_left3A_284 = vector.broadcast %shift_left3A_283 : i32 to vector<16xi32>
        %shift_left3A_285 = arith.shli %xor3A_281, %shift_left3A_284 : vector<16xi32>
        %shift_right_logical3A_286 = arith.constant 17 : i32
        %shift_right_logical3A_287 = vector.broadcast %shift_right_logical3A_286 : i32 to vector<16xi32>
        %shift_right_logical3A_288 = arith.shrui %xor3A_281, %shift_right_logical3A_287 : vector<16xi32>
        %xor3A_289 = arith.xori %shift_left3A_285, %shift_right_logical3A_288 : vector<16xi32>
        %xor3A_290 = arith.xori %xor3A_289, %add3A_282 : vector<16xi32>
        %add3A_291 = arith.addi %add3A_282, %xor3A_290 : vector<16xi32>
        %shift_left3A_292 = arith.constant 26 : i32
        %shift_left3A_293 = vector.broadcast %shift_left3A_292 : i32 to vector<16xi32>
        %shift_left3A_294 = arith.shli %xor3A_290, %shift_left3A_293 : vector<16xi32>
        %shift_right_logical3A_295 = arith.constant 6 : i32
        %shift_right_logical3A_296 = vector.broadcast %shift_right_logical3A_295 : i32 to vector<16xi32>
        %shift_right_logical3A_297 = arith.shrui %xor3A_290, %shift_right_logical3A_296 : vector<16xi32>
        %xor3A_298 = arith.xori %shift_left3A_294, %shift_right_logical3A_297 : vector<16xi32>
        %xor3A_299 = arith.xori %xor3A_298, %add3A_291 : vector<16xi32>
        %add3A_300 = arith.addi %add3A_291, %xor3A_299 : vector<16xi32>
        %shift_left3A_301 = arith.constant 6 : i32
        %shift_left3A_302 = vector.broadcast %shift_left3A_301 : i32 to vector<16xi32>
        %shift_left3A_303 = arith.shli %xor3A_299, %shift_left3A_302 : vector<16xi32>
        %shift_right_logical3A_304 = arith.constant 26 : i32
        %shift_right_logical3A_305 = vector.broadcast %shift_right_logical3A_304 : i32 to vector<16xi32>
        %shift_right_logical3A_306 = arith.shrui %xor3A_299, %shift_right_logical3A_305 : vector<16xi32>
        %xor3A_307 = arith.xori %shift_left3A_303, %shift_right_logical3A_306 : vector<16xi32>
        %xor3A_308 = arith.xori %xor3A_307, %add3A_300 : vector<16xi32>
        %add3A_309 = vector.broadcast %xor3A_43 : i32 to vector<16xi32>
        %add3A_310 = arith.addi %add3A_300, %add3A_309 : vector<16xi32>
        %add3A_311 = arith.constant 5 : i32
        %add3A_312 = arith.addi %select_n3A_37, %add3A_311 : i32
        %add3A_313 = vector.broadcast %add3A_312 : i32 to vector<16xi32>
        %add3A_314 = arith.addi %xor3A_308, %add3A_313 : vector<16xi32>
        %xor3A_315 = arith.xori %add3A_310, %add3A_314 : vector<16xi32>
        %gt3A = arith.constant 858993663 : i32
        %gt3A_316 = vector.broadcast %gt3A : i32 to vector<16xi32>
        %gt3A_317 = arith.cmpi ugt, %xor3A_315, %gt3A_316 : vector<16xi32>
        %mul3A_318 = arith.constant 16 : i32
        %mul3A_319 = arith.muli %sub3A_91, %mul3A_318 : i32
        %get3A = arith.index_cast %select_n3A_88 : i32 to index
        %get3A_320 = arith.index_cast %mul3A_319 : i32 to index
        %get3A_321 = tpu.vector_load %arg4[%get3A, %get3A_320] {strides = array<i32>} : memref<8x2048xf32, #tpu.memory_space<vmem>>, vector<1x16xf32>,
        %get3A_322 = vector.shape_cast %get3A_321 : vector<1x16xf32> to vector<16xf32>
        %jit3A_323 = arith.constant 0.000000e+00 : f32
        %broadcast_in_dim3A_324 = vector.broadcast %jit3A_323 : f32 to vector<16xf32>
        %select_n3A_325 = arith.select %gt3A_317, %get3A_322, %broadcast_in_dim3A_324 : vector<16xi1>, vector<16xf32>
        %mul3A_326 = arith.constant 16 : i32
        %mul3A_327 = arith.muli %sub3A_91, %mul3A_326 : i32
        %swap3A = arith.index_cast %select_n3A_88 : i32 to index
        %swap3A_328 = arith.index_cast %mul3A_327 : i32 to index
        %swap3A_329 = tpu.vector_load %arg4[%swap3A, %swap3A_328] {strides = array<i32>} : memref<8x2048xf32, #tpu.memory_space<vmem>>, vector<1x16xf32>,
        %swap3A_330 = vector.shape_cast %swap3A_329 : vector<1x16xf32> to vector<16xf32>
        %swap3A_331 = vector.shape_cast %select_n3A_325 : vector<16xf32> to vector<1x16xf32>
        tpu.vector_store %arg4[%swap3A, %swap3A_328], %swap3A_331 {strides = array<i32>} : memref<8x2048xf32, #tpu.memory_space<vmem>>, vector<1x16xf32>,
      }
      %scan3A_63 = arith.constant 1024 : i32
      "tpu.region"() ({
        %run_scoped3A = tpu.sem_alloc : memref<!tpu.dma_semaphore, #tpu.memory_space<semaphore_mem>>
        %dma_start3A = arith.constant 0 : i32
        %dma_start3A_64 = tpu.memref_slice %arg3[%add3A_57, %dma_start3A] : memref<16384x2048xf32, #tpu.memory_space<hbm>> -> memref<8x2048xf32, #tpu.memory_space<hbm>>
        %dma_start3A_65 = arith.constant 0 : i32
        %dma_start3A_66 = tpu.memref_slice %arg3[%add3A_57, %dma_start3A_65] : memref<16384x2048xf32, #tpu.memory_space<hbm>> -> memref<8x2048xf32, #tpu.memory_space<hbm>>
        tpu.enqueue_dma source(%arg4 : memref<8x2048xf32, #tpu.memory_space<vmem>>) target(%dma_start3A_66 : memref<8x2048xf32, #tpu.memory_space<hbm>>) target_semaphore(%run_scoped3A : memref<!tpu.dma_semaphore, #tpu.memory_space<semaphore_mem>>)
        %dma_wait3A = arith.constant 0 : i32
        %dma_wait3A_67 = tpu.memref_slice %arg3[%add3A_57, %dma_wait3A] : memref<16384x2048xf32, #tpu.memory_space<hbm>> -> memref<8x2048xf32, #tpu.memory_space<hbm>>
        %dma_wait3A_68 = arith.constant 0 : i32
        %dma_wait3A_69 = tpu.memref_slice %arg3[%add3A_57, %dma_wait3A_68] : memref<16384x2048xf32, #tpu.memory_space<hbm>> -> memref<8x2048xf32, #tpu.memory_space<hbm>>
        tpu.wait_dma2 semaphore(%run_scoped3A : memref<!tpu.dma_semaphore, #tpu.memory_space<semaphore_mem>>) src(%arg4 : memref<8x2048xf32, #tpu.memory_space<vmem>>) dst(%dma_wait3A_69 : memref<8x2048xf32, #tpu.memory_space<hbm>>)
        tpu.yield
      }) : () -> ()
    }
    %scan3A_53 = arith.constant 64 : i32
    return
  }
}

</mosaic_0001>

<sc_bundles>
// kernel: kernel.3.cloned.1.call-start
scs
__scs_entry_jumppad:
0x0: {  	(pc) =	sbr.rel $0x88, $3  }
0x1: {  	(tag) =	ssettag $0x0;
	lr =	simm.s32 $0x1  }
0x2: {  	[smem:$0x3FA0] =	sst lr;
	_ =	strace $0xD0000000  }
0x3: {  	_ = 	snop  }
0x4: {  	_ = 	snop  }
0x5: {  	_ = 	snop  }
0x6: {  	_ = 	snop  }
0x7: {  	_ = 	snop  }
__scs_overlays_trampoline_lowered:
0x8: {  	[smem:$0x3FAF] =	sst s0  }
0x9: {  	[smem:$0x3FB0] =	sst s1  }
0xa: {  	[smem:$0x3FB1] =	sst s2  }
0xb: {  	[smem:$0x3FB2] =	sst s3  }
0xc: {  	[smem:$0x3FB3] =	sst s4  }
0xd: {  	[smem:$0x3FB4] =	sst s5  }
0xe: {  	[smem:$0x3FB5] =	sst s6  }
0xf: {  	[smem:$0x3FB6] =	sst s7  }
0x10: {  	[smem:$0x3FB7] =	sst s8  }
0x11: {  	[smem:$0x3FB8] =	sst s9;
	s0 =	simm.s32 @!p0 $0x0  }
0x12: {  	s1 =	sld [smem:$0x3F9E];
	s0 =	simm.s32 @p0 $0x1  }
0x13: {  	[smem:$0x3FB9] =	sst s0;
	s0 =	simm.s32 @!p1 $0x0  }
0x14: {  	s2 =	sld [smem:$0x3F9D];
	s0 =	simm.s32 @p1 $0x1  }
0x15: {  	[smem:$0x3FBA] =	sst s0;
	s0 =	simm.s32 @!p2 $0x0  }
0x16: {  	s3 =	sld [smem:$0x3FDB];
	s0 =	simm.s32 @p2 $0x1  }
0x17: {  	s4 =	simm.s32 $0x1BF5;
	[smem:$0x3FBC] =	sst s0  }
0x18: {  	s0 =	sld [smem:$0x3F9F];
	_ =	swait.ge [sflag:s4], $0x0  }
0x19: {  	s7 =	sld [smem:$0x3FA0]  }
0x1a: {  	s8 =	sadd.s32 $0xFFFFE003, lr  }
0x1b: {  	s9 =	sadd.s32 $0xFFFFFEF7, lr;
	s5 =	simm.s32 $0xFFFFFFFF;
	p2 =	slt.u32 s8, $0xFFFFF086  }
0x1c: {  	p1 =	slt.u32 s9, $0xF7A;
	s5 =	simm.s32 @!p2 $0x0  }
0x1d: {  	s5 =	simm.s32 @p1 $0x1;
	p0 =	seq.s32 s7, s2  }
0x1e: {  	s7 =	smul.u32 @!p0 $0xF7A, s2;
	p2 =	seq.s32 @!p0 s5, $0x0  }
0x1f: {  	s9 =	smul.u32 $0xF7A, s1;
	s8 =	simm.s32 @!p0 $0x1BF5;
	p2 =	por !p2, p0  }
0x20: {  	[sflag:s8] =	ssyncset.s32 @!p0 $0xFFFFF086;
	s6 =	sadd.s32 @!p0 s3, s7;
	s7 =	simm.s32 @!p0 $0x108  }
0x21: {  	s3 =	sadd.s32 s3, s9;
	s6 =	sadd.s32 @!p0 $0x88, s6;
	s7 =	simm.s32 @p2 $0x1082  }
0x22: {  	[simem:s7], [sflag:s8] =	dma.local @!p0 [hbm:s6], $0xF7A  }
0x23: {  	s9 =	sor.u32 $0xD0000000, s2;
	s6 =	simm.s32 $0x108;
	_ =	swait.ge @!p0 [sflag:s8], $0x0  }
0x24: {  	s3 =	sadd.s32 $0x88, s3;
	s6 =	simm.s32 @!p1 $0x1082;
	[sflag:s4] =	ssyncset.s32 $0xFFFFF086  }
0x25: {  	[simem:s6], [sflag:s4] =	dma.local [hbm:s3], $0xF7A  }
0x26: {  	[smem:$0x3FA0] =	sst s1;
	(tag) =	ssettag s2;
	_ =	strace s9  }
0x27: {  	s1 =	sld [smem:$0x3FB0]  }
0x28: {  	s2 =	sld [smem:$0x3FB1]  }
0x29: {  	s4 =	sld [smem:$0x3FB3]  }
0x2a: {  	p0 =	seq.s32 s5, $0x0;
	s5 =	sld [smem:$0x3FB4]  }
0x2b: {  	s6 =	sld [smem:$0x3FB5]  }
0x2c: {  	s7 =	sld [smem:$0x3FB6]  }
0x2d: {  	s3 =	simm.s32 $0x108;
	s8 =	sld [smem:$0x3FB7]  }
0x2e: {  	s3 =	simm.s32 @!p0 $0x1082;
	s9 =	sld [smem:$0x3FB8]  }
0x2f: {  	lr =	sadd.s32 s0, s3;
	s0 =	sld [smem:$0x3FAF]  }
0x30: {  	s3 =	sld [smem:$0x3FB2]  }
0x31: {  	[smem:$0x3FBB] =	sst s10  }
0x32: {  	s10 =	sld [smem:$0x3FB9];
	_ =	sdelay $0x3  }
0x33: {  	p0 =	seq.s32 s10, $0x1;
	s10 =	sld [smem:$0x3FBB];
	_ =	sdelay $0x3  }
0x34: {  	[smem:$0x3FBB] =	sst s10  }
0x35: {  	s10 =	sld [smem:$0x3FBA];
	_ =	sdelay $0x3  }
0x36: {  	p1 =	seq.s32 s10, $0x1;
	s10 =	sld [smem:$0x3FBB];
	_ =	sdelay $0x3  }
0x37: {  	[smem:$0x3FBB] =	sst s10  }
0x38: {  	s10 =	sld [smem:$0x3FBC]  }
0x39: {  	_ = 	snop;
	(pc) =	sbr.ind lr, $3  }
0x3a: {  	_ = 	snop  }
0x3b: {  	_ = 	snop  }
0x3c: {  	p2 =	seq.s32 s10, $0x1;
	s10 =	sld [smem:$0x3FBB]  }
0x3d: {  	_ =	shalt  }
0x3e: {  	_ =	shalt  }
0x3f: {  	_ =	shalt  }
0x40: {  	_ =	shalt  }
0x41: {  	_ =	shalt  }
0x42: {  	_ =	shalt  }
0x43: {  	_ =	shalt  }
0x44: {  	_ =	shalt  }
0x45: {  	_ =	shalt  }
0x46: {  	_ =	shalt  }
0x47: {  	_ =	shalt  }
0x48: {  	_ =	shalt  }
0x49: {  	_ =	shalt  }
0x4a: {  	_ =	shalt  }
0x4b: {  	_ =	shalt  }
0x4c: {  	_ =	shalt  }
0x4d: {  	_ =	shalt  }
0x4e: {  	_ =	shalt  }
0x4f: {  	_ =	shalt  }
0x50: {  	_ =	shalt  }
0x51: {  	_ =	shalt  }
0x52: {  	_ =	shalt  }
0x53: {  	_ =	shalt  }
0x54: {  	_ =	shalt  }
0x55: {  	_ =	shalt  }
0x56: {  	_ =	shalt  }
0x57: {  	_ =	shalt  }
0x58: {  	_ =	shalt  }
0x59: {  	_ =	shalt  }
0x5a: {  	_ =	shalt  }
0x5b: {  	_ =	shalt  }
0x5c: {  	_ =	shalt  }
0x5d: {  	_ =	shalt  }
0x5e: {  	_ =	shalt  }
0x5f: {  	_ =	shalt  }
0x60: {  	_ =	shalt  }
0x61: {  	_ =	shalt  }
0x62: {  	_ =	shalt  }
0x63: {  	_ =	shalt  }
0x64: {  	_ =	shalt  }
0x65: {  	_ =	shalt  }
0x66: {  	_ =	shalt  }
0x67: {  	_ =	shalt  }
0x68: {  	_ =	shalt  }
0x69: {  	_ =	shalt  }
0x6a: {  	_ =	shalt  }
0x6b: {  	_ =	shalt  }
0x6c: {  	_ =	shalt  }
0x6d: {  	_ =	shalt  }
0x6e: {  	_ =	shalt  }
0x6f: {  	_ =	shalt  }
0x70: {  	_ =	shalt  }
0x71: {  	_ =	shalt  }
0x72: {  	_ =	shalt  }
0x73: {  	_ =	shalt  }
0x74: {  	_ =	shalt  }
0x75: {  	_ =	shalt  }
0x76: {  	_ =	shalt  }
0x77: {  	_ =	shalt  }
0x78: {  	_ =	shalt  }
0x79: {  	_ =	shalt  }
0x7a: {  	_ =	shalt  }
0x7b: {  	_ =	shalt  }
0x7c: {  	_ =	shalt  }
0x7d: {  	_ =	shalt  }
0x7e: {  	_ =	shalt  }
0x7f: {  	_ =	shalt  }
0x80: {  	_ =	shalt  }
0x81: {  	_ =	shalt  }
0x82: {  	_ =	shalt  }
0x83: {  	_ =	shalt  }
0x84: {  	_ =	shalt  }
0x85: {  	_ =	shalt  }
0x86: {  	_ =	shalt  }
0x87: {  	_ =	shalt  }
.Lfunc_end0:
.L_simem_size_0:
called_computation_lowered:
.L_overlay_start_0:
0x88: {  	s2 =	sld [smem:$0x3FD9]  }
0x89: {  	s3 =	sld [smem:$0x3FFE];
	_ =	sdelay $0x1  }
0x8a: {  	s1 =	srdreg.scid  }
0x8b: {  	s0 =	sand.u32 $0x1, s1  }
0x8c: {  	s18 =	sshll.u32 s0, $0xA;
	s2 =	sadd.s32 s3, s2  }
0x8d: {  	s2 =	sadd.s32 s2, s18  }
0x8e: {  	[smem:$0x3FC7] =	sst s2  }
0x8f: {  	_ = 	snop  }
0x90: {  	s2 =	sld [smem:$0x3FC9]  }
0x91: {  	s19 =	sld [smem:$0x3FD0];
	(tm) =	ssettm $0x1  }
0x92: {  	s4 =	sld [smem:$0x3FFB];
	_ =	sdelay $0x3  }
0x93: {  	_ =	strace s4  }
0x94: {  	s4 =	sld [smem:$0x3FFC];
	_ =	sdelay $0x3  }
0x95: {  	_ =	strace s4  }
0x96: {  	s4 =	sld [smem:$0x3FFD];
	_ =	sdelay $0x3  }
0x97: {  	_ =	strace s4  }
0x98: {  	_ =	strace $0x8FFFFFFF  }
0x99: {  	s20 =	sld [smem:$0x3FDB];
	_ =	sdelay $0x1  }
0x9a: {  	s5 =	simm.s32 $_scs_section_size  }
0x9b: {  	s6 =	simm.s32 $_size__tile_overlayer_lowered;
	s7 =	simm.s32 $_tile_overlayer_lowered  }
0x9c: {  	s23 =	simm.s32 $0x1BFF;
	s22 =	sshll.u32 s7, $0x1;
	s4 =	sadd.s32 s5, s20  }
0x9d: {  	s8 =	simm.s32 $0x0;
	s21 =	sshll.u32 s6, $0x1;
	s6 =	sadd.s32 s22, s4  }
0x9e: {  	[timem:s8], [sflag:s23] =	dma.local [hbm:s6], s21  }
0x9f: {  	_ =	swait.ge [sflag:s23], s21  }
0xa0: {  	s5 =	ssub.s32 $0x0, s21;
	[sflag:s23] =	ssyncset.done $0x0  }
0xa1: {  	[sflag:s23] =	ssyncadd.s32 s5;
	_ =	sdelay $0x1  }
0xa2: {  	s24 =	simm.s32 $0x1B8B  }
0xa3: {  	_ =	swait.ge [sflag:s24], $0x1  }
0xa4: {  	[sflag:s24] =	ssyncset.done $0x0  }
0xa5: {  	s25 =	simm.s32 $0x1B8E;
	[sflag:s24] =	ssyncadd.s32 $0xFFFFFFFF  }
0xa6: {  	s26 =	simm.s32 $execute0_lowered;
	[smem:$0x3FD2] =	sst s25  }
0xa7: {  	s5 =	sshll.u32 s26, $0x1;
	_ =	strace $0x80000046;
	[dreg:$0x1] =	wrdreg $0xFFFFFFFF  }
0xa8: {  	s28 =	simm.s32 $_size_execute0_lowered;
	s4 =	sadd.s32 s4, s5;
	[dreg:$0x0] =	wrdreg $0x0  }
0xa9: {  	s5 =	sshll.u32 s28, $0x1;
	[dreg:$0x2] =	wrdreg s4  }
0xaa: {  	[dreg:$0x3] =	wrdreg s5  }
0xab: {  	[dreg:$0x4] =	wrdreg $0xC0  }
0xac: {  	_ =	task [dreg:s8], $0x5FFFF  }
0xad: {  	[dreg:$0x1] =	wrdreg $0xFFFFFFFF  }
0xae: {  	[dreg:$0x0] =	wrdreg $0x60  }
0xaf: {  	[dreg:$0x2] =	wrdreg s2  }
0xb0: {  	[dreg:$0x3] =	wrdreg s19  }
0xb1: {  	[dreg:$0x4] =	wrdreg $0x9  }
0xb2: {  	_ =	task.clear_ibuf [dreg:s8], $0x5FFFF;
	_ =	strace $0x90000046  }
0xb3: {  	s29 =	simm.s32 $0x9;
	_ =	strace $0x80000048  }
0xb4: {  	_ =	swait.ge [sflag:s29], $0x1  }
0xb5: {  	[sflag:s29] =	ssyncadd.s32 $0xFFFFFFFF  }
0xb6: {  	_ =	strace $0x90000048  }
0xb7: {  	_ =	sfence  }
0xb8: {  	s30 =	sld [smem:$0x0];
	_ =	sdelay $0x2  }
0xb9: {  	s31 =	sshll.u32 s1, $0xD;
	s1 =	sshrl.u32 s1, $0x2  }
0xba: {  	s3 =	sand.u32 $0x4000, s31;
	s1 =	sadd.s32 s1, s30  }
0xbb: {  	s0 =	sor.u32 s3, s0;
	s1 =	sshll.u32 s1, $0x11  }
0xbc: {  	s0 =	sor.u32 s1, s0  }
0xbd: {  	s0 =	sadd.s32 $0x8F2B, s0  }
0xbe: {  	[sflag:s0] =	ssyncadd.remote.s32 $0x1  }
0xbf: {  	_ =	sfence.sel $0xFFFF  }
0xc0: {  	[dreg:$0x0] =	wrdreg $0xFFFFFFFF;
	(pc) =	sbr.abs _section_cstart, $3  }
0xc1: {  	[dreg:$0x1] =	wrdreg $0xFFFFFFFF  }
0xc2: {  	_ =	task.clear_ibuf [dreg:s8], $0x2FFFF;
	_ =	strace $0x9FFFFFFF  }
0xc3: {  	(tm) =	ssettm $0x7FFFFFFF  }
tec
execute0_lowered:
.L_overlay_start_1:
0x0: {  	(tag) =	ssettag $0x1  }
0x1: {  	s2 =	rddreg [dreg:$0x0]  }
0x2: {  	s3 =	rddreg [dreg:$0x1]  }
0x3: {  	s0 =	rddreg [dreg:$0x2]  }
0x4: {  	s5 =	srdreg.scid;
	s1 =	stileid.u32  }
0x5: {  	s4 =	simm.s32 $0x0;
	s7 =	simm.s32 $0x3D7B32D;
	s8 =	simm.s32 $0xADD083F4  }
0x6: {  	s5 =	sand.u32 $0x1, s5;
	s6 =	sshrl.u32 s1, $0x2;
	[smem:$0x7FF] =	sst s4  }
0x7: {  	s28 =	sshll.u32 s1, $0xA;
	s13 =	sshll.u32 s1, $0x15;
	p0 =	seq.s32 s6, $0x1  }
0x8: {  	s9 =	ssub.s32 $0x2, s5;
	_ =	strace $0x80000047;
	s12 =	sshll.u32 s5, $0x9  }
0x9: {  	s7 =	simm.s32 @!p0 $0x6D3E048F;
	s8 =	simm.s32 @!p0 $0x1022172D;
	p0 =	seq.s32 s6, $0x2  }
0xa: {  	s5 =	sshll.u32 s5, $0x14;
	s10 =	sshrl.u32 s9, $0x1;
	s7 =	simm.s32 @p0 $0x92FB20EA  }
0xb: {  	s8 =	simm.s32 @p0 $0xF38D913;
	p0 =	seq.s32 s6, $0x3;
	s6 =	sshll.u32 s6, $0x17  }
0xc: {  	s9 =	ssub.s32 s9, s10;
	s7 =	simm.s32 @p0 $0xBAD56946;
	s8 =	simm.s32 @p0 $0x354BA891  }
0xd: {  	s11 =	sxor.u32 s7, s8;
	s29 =	sadd.s32 s13, s8;
	s31 =	sadd.s32 $0x2, s7  }
0xe: {  	v1 =	vmov s8;
	s8 =	sadd.s32 $0x3, s8;
	v3 =	vmov s7;
	s7 =	sadd.s32 $0x5, s7;
	s26 =	sxor.u32 $0x1BD11BDA, s11  }
0xf: {  	v8 =	vlaneseq.u32;
	s11 =	sor.u32 s12, s28;
	s12 =	sadd.s32 s5, s29;
	s5 =	smax.u32 s9, $0x1  }
0x10: {  	v4 =	vmov s31;
	v5 =	vmov s8;
	v7 =	vmov s7;
	s8 =	simm.s32 $0x1;
	s30 =	sadd.s32 $0x1, s26;
	s10 =	sadd.s32 $0x4, s26  }
0x11: {  	s9 =	simm.s32 $0x0;
	v2 =	vmov s26;
	s6 =	ssub.s32 s12, s6;
	s7 =	sshll.u32 s11, $0x8;
	v0 =	vmov s30;
	v6 =	vmov s10  }
.LBB2_1:
0x12: {  	s10 =	smov.u32 s6;
	s11 =	simm.s32 $0x0  }
.LBB2_2:
0x13: {  	s12 =	sadd.s32 $0x0, s10  }
0x14: {  	v9 =	vadd.s32 s12, v8  }
0x15: {  	v10 =	vshrl.u32 v9, $0x13;
	v11 =	vshll.u32 v9, $0xD  }
0x16: {  	v9 =	vadd.s32 v3, v9;
	v10 =	vor.u32 v10, v11  }
0x17: {  	v10 =	vxor.u32 v9, v10  }
0x18: {  	v11 =	vshrl.u32 v10, $0x11;
	v12 =	vshll.u32 v10, $0xF  }
0x19: {  	v9 =	vadd.s32 v9, v10;
	v10 =	vor.u32 v11, v12  }
0x1a: {  	v10 =	vxor.u32 v9, v10  }
0x1b: {  	v11 =	vshrl.u32 v10, $0x6;
	v12 =	vshll.u32 v10, $0x1A  }
0x1c: {  	v9 =	vadd.s32 v9, v10;
	v10 =	vor.u32 v11, v12  }
0x1d: {  	v10 =	vxor.u32 v9, v10  }
0x1e: {  	v11 =	vshrl.u32 v10, $0x1A;
	v12 =	vshll.u32 v10, $0x6  }
0x1f: {  	v9 =	vadd.s32 v9, v10;
	v10 =	vor.u32 v11, v12  }
0x20: {  	v10 =	vxor.u32 v9, v10  }
0x21: {  	v10 =	vadd.s32 v0, v10  }
0x22: {  	v9 =	vadd.s32 v1, v9;
	v11 =	vshrl.u32 v10, $0xF;
	v12 =	vshll.u32 v10, $0x11  }
0x23: {  	v9 =	vadd.s32 v10, v9;
	v10 =	vor.u32 v11, v12  }
0x24: {  	v10 =	vxor.u32 v9, v10  }
0x25: {  	v11 =	vshrl.u32 v10, $0x3;
	v12 =	vshll.u32 v10, $0x1D  }
0x26: {  	v9 =	vadd.s32 v9, v10;
	v10 =	vor.u32 v11, v12  }
0x27: {  	v10 =	vxor.u32 v9, v10  }
0x28: {  	v11 =	vshrl.u32 v10, $0x10;
	v12 =	vshll.u32 v10, $0x10  }
0x29: {  	v9 =	vadd.s32 v9, v10;
	v10 =	vor.u32 v11, v12  }
0x2a: {  	v10 =	vxor.u32 v9, v10  }
0x2b: {  	v11 =	vshrl.u32 v10, $0x8;
	v12 =	vshll.u32 v10, $0x18  }
0x2c: {  	v9 =	vadd.s32 v9, v10;
	v10 =	vor.u32 v11, v12  }
0x2d: {  	v10 =	vxor.u32 v9, v10  }
0x2e: {  	v10 =	vadd.s32 v4, v10  }
0x2f: {  	v9 =	vadd.s32 v2, v9;
	v11 =	vshrl.u32 v10, $0x13;
	v12 =	vshll.u32 v10, $0xD  }
0x30: {  	s26 =	sadd.s32 $0x10, s10;
	v9 =	vadd.s32 v10, v9;
	v10 =	vor.u32 v11, v12  }
0x31: {  	v11 =	vadd.s32 s26, v8;
	v10 =	vxor.u32 v9, v10  }
0x32: {  	v12 =	vshrl.u32 v11, $0x13;
	v13 =	vshrl.u32 v10, $0x11;
	v14 =	vshll.u32 v10, $0xF  }
0x33: {  	v15 =	vshll.u32 v11, $0xD;
	v9 =	vadd.s32 v9, v10;
	v10 =	vor.u32 v13, v14  }
0x34: {  	v11 =	vadd.s32 v3, v11;
	v12 =	vor.u32 v12, v15;
	v10 =	vxor.u32 v9, v10  }
0x35: {  	v12 =	vxor.u32 v11, v12;
	v13 =	vshrl.u32 v10, $0x6;
	v14 =	vshll.u32 v10, $0x1A  }
0x36: {  	v11 =	vadd.s32 v11, v12;
	v9 =	vadd.s32 v9, v10;
	v10 =	vor.u32 v13, v14  }
0x37: {  	v13 =	vshrl.u32 v12, $0x11;
	v12 =	vshll.u32 v12, $0xF;
	v10 =	vxor.u32 v9, v10  }
0x38: {  	v12 =	vor.u32 v13, v12;
	v13 =	vshrl.u32 v10, $0x1A;
	v14 =	vshll.u32 v10, $0x6  }
0x39: {  	v12 =	vxor.u32 v11, v12;
	v9 =	vadd.s32 v9, v10;
	v10 =	vor.u32 v13, v14  }
0x3a: {  	v13 =	vshrl.u32 v12, $0x6;
	v14 =	vshll.u32 v12, $0x1A;
	v10 =	vxor.u32 v9, v10  }
0x3b: {  	v11 =	vadd.s32 v11, v12;
	v12 =	vor.u32 v13, v14;
	v10 =	vadd.s32 v5, v10  }
0x3c: {  	v9 =	vadd.s32 v3, v9;
	v13 =	vshrl.u32 v10, $0xF;
	v14 =	vshll.u32 v10, $0x11  }
0x3d: {  	v12 =	vxor.u32 v11, v12;
	v9 =	vadd.s32 v10, v9;
	v10 =	vor.u32 v13, v14  }
0x3e: {  	v11 =	vadd.s32 v11, v12;
	v13 =	vshrl.u32 v12, $0x1A;
	v10 =	vxor.u32 v9, v10  }
0x3f: {  	v12 =	vshll.u32 v12, $0x6;
	v14 =	vshrl.u32 v10, $0x3;
	v15 =	vshll.u32 v10, $0x1D  }
0x40: {  	v12 =	vor.u32 v13, v12;
	v9 =	vadd.s32 v9, v10;
	v10 =	vor.u32 v14, v15  }
0x41: {  	v12 =	vxor.u32 v11, v12;
	v11 =	vadd.s32 v1, v11;
	v10 =	vxor.u32 v9, v10  }
0x42: {  	v12 =	vadd.s32 v0, v12;
	v13 =	vshrl.u32 v10, $0x10;
	v14 =	vshll.u32 v10, $0x10  }
0x43: {  	v11 =	vadd.s32 v12, v11;
	v9 =	vadd.s32 v9, v10;
	v10 =	vor.u32 v13, v14  }
0x44: {  	v13 =	vshrl.u32 v12, $0xF;
	v12 =	vshll.u32 v12, $0x11;
	v10 =	vxor.u32 v9, v10  }
0x45: {  	v12 =	vor.u32 v13, v12;
	v13 =	vshrl.u32 v10, $0x8;
	v14 =	vshll.u32 v10, $0x18  }
0x46: {  	v12 =	vxor.u32 v11, v12;
	v9 =	vadd.s32 v9, v10;
	v10 =	vor.u32 v13, v14  }
0x47: {  	v13 =	vshrl.u32 v12, $0x3;
	v14 =	vshll.u32 v12, $0x1D;
	v10 =	vxor.u32 v9, v10  }
0x48: {  	v11 =	vadd.s32 v11, v12;
	v12 =	vor.u32 v13, v14;
	v10 =	vadd.s32 v6, v10  }
0x49: {  	v9 =	vadd.s32 v1, v9;
	v12 =	vxor.u32 v11, v12;
	v13 =	vshrl.u32 v10, $0x13  }
0x4a: {  	v14 =	vshll.u32 v10, $0xD;
	v9 =	vadd.s32 v10, v9;
	v11 =	vadd.s32 v11, v12  }
0x4b: {  	s29 =	sadd.s32 $0x20, s10;
	v10 =	vor.u32 v13, v14;
	v13 =	vshrl.u32 v12, $0x10;
	v12 =	vshll.u32 v12, $0x10  }
0x4c: {  	v10 =	vxor.u32 v9, v10;
	v12 =	vor.u32 v13, v12;
	v13 =	vadd.s32 s29, v8  }
0x4d: {  	s28 =	sshll.u32 s11, $0xB;
	v14 =	vshrl.u32 v10, $0x11;
	v15 =	vshll.u32 v10, $0xF;
	v9 =	vadd.s32 v9, v10  }
0x4e: {  	s15 =	simm.s32 $0x0;
	s12 =	sor.u32 s7, s28;
	v12 =	vxor.u32 v11, v12;
	v61 =	vshll.u32 v13, $0xD;
	v10 =	vor.u32 v14, v15  }
0x4f: {  	s13 =	simm.s32 $0x0;
	s30 =	sand.u32 $0xFFFFC000, s15;
	s14 =	sadd.s32 s2, s12;
	v14 =	vshrl.u32 v12, $0x8;
	v17 =	vshll.u32 v12, $0x18;
	v10 =	vxor.u32 v9, v10  }
0x50: {  	[tilespmem:s13], [sflag:$0x1] =	stream.linear.gather [hbm4b:s14+s13], $0x4000, $0x38;
	v11 =	vadd.s32 v11, v12;
	v15 =	vshrl.u32 v10, $0x6;
	v16 =	vshll.u32 v10, $0x1A;
	[tilespmem:$0x4000] =	vst v63  }
0x51: {  	s14 =	ssub.s32 $0x0, s30;
	v12 =	vor.u32 v14, v17;
	v9 =	vadd.s32 v9, v10;
	v10 =	vor.u32 v15, v16  }
0x52: {  	s31 =	sand.u32 $0x380, s13;
	_ =	swait.ge [sflag:s8], $0x4000;
	s14 =	sand.u32 $0xFFFFFC00, s14;
	v12 =	vxor.u32 v11, v12;
	v11 =	vadd.s32 v2, v11;
	v10 =	vxor.u32 v9, v10  }
0x53: {  	s16 =	sand.u32 $0x70, s13;
	[sflag:s8] =	ssyncset.done $0x0;
	s14 =	sor.u32 s31, s14;
	v12 =	vadd.s32 v4, v12;
	v14 =	vshrl.u32 v10, $0x1A;
	v15 =	vshll.u32 v10, $0x6  }
0x54: {  	[sflag:s8] =	ssyncadd.s32 $0xFFFFC000;
	s14 =	sor.u32 s16, s14;
	v60 =	vshll.u32 v12, $0xD;
	v9 =	vadd.s32 v9, v10;
	v10 =	vor.u32 v14, v15  }
0x55: {  	v11 =	vadd.s32 v12, v11;
	v14 =	vld [tilespmem:s14+$0x0];
	v15 =	vshrl.u32 v12, $0x13;
	v10 =	vxor.u32 v9, v10  }
0x56: {  	v9 =	vadd.s32 v2, v9;
	v12 =	vor.u32 v15, v60;
	v10 =	vadd.s32 v7, v10  }
0x57: {  	v12 =	vxor.u32 v11, v12;
	v9 =	vxor.u32 v9, v10;
	v10 =	vshrl.u32 v13, $0x13  }
0x58: {  	v15 =	vshll.u32 v12, $0xF;
	vm0 =	vgt.u32 v9, $0x333333FF;
	v9 =	vshrl.u32 v12, $0x11  }
0x59: {  	v11 =	vadd.s32 v11, v12;
	v12 =	vadd.s32 v3, v13;
	v9 =	vor.u32 v9, v15  }
0x5a: {  	v10 =	vor.u32 v10, v61;
	v14 =	vnsel vm0, $0x0, v14;
	v13 =	vxor.u32 v11, v9  }
0x5b: {  	v10 =	vxor.u32 v12, v10;
	v15 =	vshrl.u32 v13, $0x6;
	v62 =	vshll.u32 v13, $0x1A  }
0x5c: {  	v9 =	vadd.s32 v12, v10;
	v11 =	vadd.s32 v11, v13;
	v12 =	vor.u32 v15, v62  }
0x5d: {  	v13 =	vshrl.u32 v10, $0x11;
	v10 =	vshll.u32 v10, $0xF;
	v15 =	vxor.u32 v11, v12  }
0x5e: {  	s17 =	simm.s32 $0x1;
	s18 =	simm.s32 $0x20;
	s19 =	simm.s32 $0x3;
	v10 =	vor.u32 v13, v10;
	v13 =	vshrl.u32 v15, $0x1A;
	v63 =	vshll.u32 v15, $0x6  }
0x5f: {  	s15 =	simm.s32 $0x2;
	s16 =	simm.s32 $0x10;
	[tilespmem:s14+$0x0] =	vst v14;
	s14 =	simm.s32 $0x20;
	v12 =	vxor.u32 v9, v10;
	v10 =	vadd.s32 v11, v15;
	v11 =	vor.u32 v13, v63  }
.LBB2_3:
0x60: {  	p0 =	sne.s32 s19, $0x3FF;
	v13 =	vshrl.u32 v12, $0x6;
	v14 =	vshll.u32 v12, $0x1A;
	v11 =	vxor.u32 v10, v11  }
0x61: {  	v9 =	vadd.s32 v9, v12;
	v12 =	vor.u32 v13, v14;
	v11 =	vadd.s32 v5, v11  }
0x62: {  	v10 =	vadd.s32 v3, v10;
	v13 =	vshrl.u32 v11, $0xF;
	v14 =	vshll.u32 v11, $0x11  }
0x63: {  	v12 =	vxor.u32 v9, v12;
	v10 =	vadd.s32 v11, v10;
	v11 =	vor.u32 v13, v14  }
0x64: {  	v9 =	vadd.s32 v9, v12;
	v13 =	vshrl.u32 v12, $0x1A;
	v11 =	vxor.u32 v10, v11  }
0x65: {  	v12 =	vshll.u32 v12, $0x6;
	v14 =	vshrl.u32 v11, $0x3;
	v15 =	vshll.u32 v11, $0x1D  }
0x66: {  	v12 =	vor.u32 v13, v12;
	v10 =	vadd.s32 v10, v11;
	v11 =	vor.u32 v14, v15  }
0x67: {  	v12 =	vxor.u32 v9, v12;
	v9 =	vadd.s32 v1, v9;
	v11 =	vxor.u32 v10, v11  }
0x68: {  	v12 =	vadd.s32 v0, v12;
	v13 =	vshrl.u32 v11, $0x10;
	v14 =	vshll.u32 v11, $0x10  }
0x69: {  	v9 =	vadd.s32 v12, v9;
	v10 =	vadd.s32 v10, v11;
	v11 =	vor.u32 v13, v14  }
0x6a: {  	v13 =	vshrl.u32 v12, $0xF;
	v12 =	vshll.u32 v12, $0x11;
	v11 =	vxor.u32 v10, v11  }
0x6b: {  	v12 =	vor.u32 v13, v12;
	v13 =	vshrl.u32 v11, $0x8;
	v14 =	vshll.u32 v11, $0x18  }
0x6c: {  	v12 =	vxor.u32 v9, v12;
	v10 =	vadd.s32 v10, v11;
	v11 =	vor.u32 v13, v14  }
0x6d: {  	v13 =	vshrl.u32 v12, $0x3;
	v14 =	vshll.u32 v12, $0x1D;
	v11 =	vxor.u32 v10, v11  }
0x6e: {  	v9 =	vadd.s32 v9, v12;
	v12 =	vor.u32 v13, v14;
	v11 =	vadd.s32 v6, v11  }
0x6f: {  	v10 =	vadd.s32 v1, v10;
	v13 =	vshrl.u32 v11, $0x13;
	v14 =	vshll.u32 v11, $0xD  }
0x70: {  	v12 =	vxor.u32 v9, v12;
	v10 =	vadd.s32 v11, v10;
	v11 =	vor.u32 v13, v14  }
0x71: {  	v9 =	vadd.s32 v9, v12;
	v13 =	vshrl.u32 v12, $0x10;
	v11 =	vxor.u32 v10, v11  }
0x72: {  	s18 =	sadd.s32 $0x10, s18;
	v12 =	vshll.u32 v12, $0x10;
	v14 =	vshrl.u32 v11, $0x11;
	v15 =	vshll.u32 v11, $0xF  }
0x73: {  	s21 =	sshll.u32 s17, $0x7;
	s20 =	sadd.s32 s18, s10;
	v12 =	vor.u32 v13, v12;
	v10 =	vadd.s32 v10, v11;
	v11 =	vor.u32 v14, v15  }
0x74: {  	s13 =	sadd.s32 $0x80, s13;
	v13 =	vadd.s32 s20, v8;
	s20 =	sand.u32 $0xFFFFC000, s21;
	v12 =	vxor.u32 v9, v12;
	v11 =	vxor.u32 v10, v11  }
0x75: {  	s20 =	ssub.s32 s13, s20;
	v14 =	vshrl.u32 v12, $0x8;
	v15 =	vshrl.u32 v11, $0x6;
	v16 =	vshll.u32 v11, $0x1A  }
0x76: {  	s21 =	sand.u32 $0x380, s17;
	s17 =	smov.u32 s15;
	v17 =	vshll.u32 v12, $0x18;
	s20 =	sand.u32 $0xFFFFFC00, s20;
	v10 =	vadd.s32 v10, v11;
	v11 =	vor.u32 v15, v16  }
0x77: {  	s15 =	sand.u32 $0x70, s16;
	s16 =	smov.u32 s14;
	v9 =	vadd.s32 v9, v12;
	v12 =	vor.u32 v14, v17;
	s20 =	sor.u32 s21, s20;
	v11 =	vxor.u32 v10, v11  }
0x78: {  	s14 =	smov.u32 s18;
	v12 =	vxor.u32 v9, v12;
	s20 =	sor.u32 s15, s20;
	s15 =	smov.u32 s19;
	v14 =	vshrl.u32 v11, $0x1A;
	v15 =	vshll.u32 v11, $0x6  }
0x79: {  	v12 =	vadd.s32 v4, v12;
	v10 =	vadd.s32 v10, v11;
	v11 =	vor.u32 v14, v15;
	v14 =	vld [tilespmem:s20+$0x0]  }
0x7a: {  	v9 =	vadd.s32 v2, v9;
	v15 =	vshrl.u32 v12, $0x13;
	v11 =	vxor.u32 v10, v11  }
0x7b: {  	v16 =	vshll.u32 v12, $0xD;
	v10 =	vadd.s32 v2, v10;
	v11 =	vadd.s32 v7, v11  }
0x7c: {  	v9 =	vadd.s32 v12, v9;
	v12 =	vor.u32 v15, v16;
	v10 =	vxor.u32 v10, v11  }
0x7d: {  	v12 =	vxor.u32 v9, v12;
	v11 =	vshrl.u32 v13, $0x13;
	vm0 =	vgt.u32 v10, $0x333333FF  }
0x7e: {  	v15 =	vshll.u32 v12, $0xF;
	v10 =	vshrl.u32 v12, $0x11;
	v14 =	vnsel vm0, $0x0, v14  }
0x7f: {  	v16 =	vshll.u32 v13, $0xD;
	v12 =	vadd.s32 v9, v12;
	v9 =	vor.u32 v10, v15;
	[tilespmem:s20+$0x0] =	vst v14  }
0x80: {  	v11 =	vor.u32 v11, v16;
	v10 =	vadd.s32 v3, v13;
	v13 =	vxor.u32 v12, v9  }
.Ltmp0:
0x81: {  	v11 =	vxor.u32 v10, v11;
	v14 =	vshrl.u32 v13, $0x6;
	v15 =	vshll.u32 v13, $0x1A;
	(pc) =	sbr.rel @p0 .LBB2_3-.Ltmp0, $4  }
0x82: {  	v9 =	vadd.s32 v10, v11;
	v10 =	vadd.s32 v12, v13;
	v12 =	vor.u32 v14, v15  }
0x83: {  	v13 =	vshrl.u32 v11, $0x11;
	v11 =	vshll.u32 v11, $0xF;
	v14 =	vxor.u32 v10, v12  }
0x84: {  	v11 =	vor.u32 v13, v11;
	v13 =	vshrl.u32 v14, $0x1A;
	v15 =	vshll.u32 v14, $0x6  }
0x85: {  	s19 =	sadd.s32 $0x1, s19;
	v12 =	vxor.u32 v9, v11;
	v10 =	vadd.s32 v10, v14;
	v11 =	vor.u32 v13, v15  }
0x86: {  	v13 =	vshrl.u32 v12, $0x6;
	v14 =	vshll.u32 v12, $0x1A  }
0x87: {  	v9 =	vadd.s32 v9, v12;
	v54 =	vor.u32 v13, v14  }
0x88: {  	v12 =	vxor.u32 v9, v54  }
0x89: {  	v55 =	vshrl.u32 v12, $0x1A;
	v56 =	vshll.u32 v12, $0x6  }
0x8a: {  	v9 =	vadd.s32 v9, v12;
	v57 =	vor.u32 v55, v56  }
0x8b: {  	v12 =	vxor.u32 v9, v57  }
0x8c: {  	v12 =	vadd.s32 v0, v12  }
0x8d: {  	v9 =	vadd.s32 v1, v9;
	v58 =	vshrl.u32 v12, $0xF;
	v59 =	vshll.u32 v12, $0x11  }
0x8e: {  	v9 =	vadd.s32 v12, v9;
	v60 =	vor.u32 v58, v59  }
0x8f: {  	v12 =	vxor.u32 v9, v60  }
0x90: {  	v61 =	vshrl.u32 v12, $0x3;
	v62 =	vshll.u32 v12, $0x1D  }
0x91: {  	v9 =	vadd.s32 v9, v12;
	v63 =	vor.u32 v61, v62  }
0x92: {  	v11 =	vxor.u32 v10, v11;
	v12 =	vxor.u32 v9, v63  }
0x93: {  	v10 =	vadd.s32 v3, v10;
	v16 =	vshrl.u32 v12, $0x10;
	v17 =	vshll.u32 v12, $0x10  }
0x94: {  	v11 =	vadd.s32 v5, v11;
	v9 =	vadd.s32 v9, v12;
	v18 =	vor.u32 v16, v17  }
0x95: {  	v19 =	vshrl.u32 v11, $0xF;
	v20 =	vshll.u32 v11, $0x11;
	v12 =	vxor.u32 v9, v18  }
0x96: {  	v10 =	vadd.s32 v11, v10;
	v11 =	vshrl.u32 v12, $0x8;
	v15 =	vshll.u32 v12, $0x18  }
0x97: {  	v13 =	vor.u32 v19, v20;
	v9 =	vadd.s32 v9, v12;
	v11 =	vor.u32 v11, v15  }
0x98: {  	v21 =	vxor.u32 v10, v13;
	v11 =	vxor.u32 v9, v11  }
0x99: {  	v13 =	vshrl.u32 v21, $0x3;
	v11 =	vadd.s32 v4, v11  }
0x9a: {  	v9 =	vadd.s32 v2, v9;
	v22 =	vshrl.u32 v11, $0x13;
	v23 =	vshll.u32 v11, $0xD  }
0x9b: {  	v16 =	vshll.u32 v21, $0x1D;
	v9 =	vadd.s32 v11, v9;
	v11 =	vor.u32 v22, v23  }
0x9c: {  	v10 =	vadd.s32 v10, v21;
	v24 =	vor.u32 v13, v16;
	v11 =	vxor.u32 v9, v11  }
0x9d: {  	v12 =	vxor.u32 v10, v24;
	v25 =	vshrl.u32 v11, $0x11;
	v26 =	vshll.u32 v11, $0xF  }
0x9e: {  	v27 =	vshrl.u32 v12, $0x10;
	v9 =	vadd.s32 v9, v11;
	v11 =	vor.u32 v25, v26  }
0x9f: {  	v28 =	vshll.u32 v12, $0x10;
	v10 =	vadd.s32 v10, v12;
	v11 =	vxor.u32 v9, v11  }
0xa0: {  	v29 =	vor.u32 v27, v28;
	v30 =	vshrl.u32 v11, $0x6;
	v31 =	vshll.u32 v11, $0x1A  }
0xa1: {  	v12 =	vxor.u32 v10, v29;
	v9 =	vadd.s32 v9, v11;
	v11 =	vor.u32 v30, v31  }
0xa2: {  	v32 =	vshrl.u32 v12, $0x8;
	v33 =	vshll.u32 v12, $0x18;
	v11 =	vxor.u32 v9, v11  }
0xa3: {  	v10 =	vadd.s32 v10, v12;
	v34 =	vshrl.u32 v11, $0x1A;
	v35 =	vshll.u32 v11, $0x6  }
0xa4: {  	v13 =	vor.u32 v32, v33;
	v9 =	vadd.s32 v9, v11;
	v11 =	vor.u32 v34, v35  }
0xa5: {  	v36 =	vxor.u32 v10, v13;
	v11 =	vxor.u32 v9, v11  }
0xa6: {  	v10 =	vadd.s32 v1, v10;
	v12 =	vadd.s32 v6, v36;
	v11 =	vadd.s32 v5, v11  }
0xa7: {  	v9 =	vadd.s32 v3, v9;
	v37 =	vshrl.u32 v11, $0xF;
	v38 =	vshll.u32 v11, $0x11  }
0xa8: {  	v39 =	vshrl.u32 v12, $0x13;
	v9 =	vadd.s32 v11, v9;
	v11 =	vor.u32 v37, v38  }
0xa9: {  	v40 =	vshll.u32 v12, $0xD;
	v10 =	vadd.s32 v12, v10;
	v11 =	vxor.u32 v9, v11  }
0xaa: {  	v41 =	vor.u32 v39, v40;
	v42 =	vshrl.u32 v11, $0x3;
	v43 =	vshll.u32 v11, $0x1D  }
0xab: {  	v12 =	vxor.u32 v10, v41;
	v9 =	vadd.s32 v9, v11;
	v11 =	vor.u32 v42, v43  }
0xac: {  	v44 =	vshrl.u32 v12, $0x11;
	v45 =	vshll.u32 v12, $0xF;
	v11 =	vxor.u32 v9, v11  }
0xad: {  	v10 =	vadd.s32 v10, v12;
	v46 =	vshrl.u32 v11, $0x10;
	v47 =	vshll.u32 v11, $0x10  }
0xae: {  	v13 =	vor.u32 v44, v45;
	v9 =	vadd.s32 v9, v11;
	v11 =	vor.u32 v46, v47  }
0xaf: {  	v48 =	vxor.u32 v10, v13;
	v11 =	vxor.u32 v9, v11  }
0xb0: {  	v13 =	vshrl.u32 v48, $0x6;
	v49 =	vshrl.u32 v11, $0x8;
	v50 =	vshll.u32 v11, $0x18  }
0xb1: {  	s18 =	sshll.u32 s17, $0x7;
	v51 =	vshll.u32 v48, $0x1A;
	v9 =	vadd.s32 v9, v11;
	v11 =	vor.u32 v49, v50  }
0xb2: {  	s13 =	sadd.s32 $0x80, s13;
	s18 =	sand.u32 $0xFFFFC000, s18;
	v10 =	vadd.s32 v10, v48;
	v52 =	vor.u32 v13, v51;
	v11 =	vxor.u32 v9, v11  }
0xb3: {  	s18 =	ssub.s32 s13, s18;
	v12 =	vxor.u32 v10, v52;
	v11 =	vadd.s32 v6, v11  }
0xb4: {  	s29 =	sand.u32 $0x380, s17;
	s18 =	sand.u32 $0xFFFFFC00, s18;
	v9 =	vadd.s32 v1, v9;
	v53 =	vshrl.u32 v11, $0x13;
	v54 =	vshll.u32 v11, $0xD  }
0xb5: {  	s16 =	sand.u32 $0x70, s16;
	s17 =	sor.u32 s29, s18;
	v55 =	vshrl.u32 v12, $0x1A;
	v9 =	vadd.s32 v11, v9;
	v11 =	vor.u32 v53, v54  }
0xb6: {  	s16 =	sor.u32 s16, s17;
	v56 =	vshll.u32 v12, $0x6;
	v10 =	vadd.s32 v10, v12;
	v11 =	vxor.u32 v9, v11  }
0xb7: {  	v58 =	vld [tilespmem:s16+$0x0];
	v57 =	vor.u32 v55, v56;
	v59 =	vshrl.u32 v11, $0x11;
	v60 =	vshll.u32 v11, $0xF  }
0xb8: {  	s30 =	sshll.u32 s15, $0x7;
	v12 =	vxor.u32 v10, v57;
	v9 =	vadd.s32 v9, v11;
	v11 =	vor.u32 v59, v60  }
0xb9: {  	s13 =	sadd.s32 $0x80, s13;
	s17 =	sand.u32 $0xFFFFC000, s30;
	v10 =	vadd.s32 v2, v10;
	v12 =	vadd.s32 v7, v12;
	v11 =	vxor.u32 v9, v11  }
0xba: {  	s13 =	ssub.s32 s13, s17;
	v10 =	vxor.u32 v10, v12;
	v61 =	vshrl.u32 v11, $0x6;
	v62 =	vshll.u32 v11, $0x1A  }
0xbb: {  	s31 =	sand.u32 $0x380, s15;
	s13 =	sand.u32 $0xFFFFFC00, s13;
	vm0 =	vgt.u32 v10, $0x333333FF;
	v9 =	vadd.s32 v9, v11;
	v10 =	vor.u32 v61, v62  }
0xbc: {  	s14 =	sand.u32 $0x70, s14;
	s13 =	sor.u32 s31, s13;
	v11 =	vnsel vm0, $0x0, v58;
	v10 =	vxor.u32 v9, v10  }
0xbd: {  	s13 =	sor.u32 s14, s13;
	[tilespmem:s16+$0x0] =	vst v11;
	v11 =	vshrl.u32 v10, $0x1A;
	v63 =	vshll.u32 v10, $0x6  }
0xbe: {  	v9 =	vadd.s32 v9, v10;
	v10 =	vor.u32 v11, v63;
	v11 =	vld [tilespmem:s13+$0x0]  }
0xbf: {  	v10 =	vxor.u32 v9, v10  }
0xc0: {  	v9 =	vadd.s32 v2, v9;
	v10 =	vadd.s32 v7, v10  }
0xc1: {  	v9 =	vxor.u32 v9, v10  }
0xc2: {  	s11 =	sadd.s32 $0x1, s11;
	vm15 =	vgt.u32 v9, $0x333333FF  }
0xc3: {  	p0 =	sne.s32 s11, $0x40;
	v9 =	vnsel vm15, $0x0, v11  }
.Ltmp1:
0xc4: {  	s12 =	sadd.s32 s3, s12;
	[tilespmem:s13+$0x0] =	vst v9;
	(pc) =	sbr.rel @p0 .LBB2_2-.Ltmp1, $4  }
0xc5: {  	[hbm4b:s12+s4] =	stream.linear.scatter [tilespmem:s4], [sflag:$0x1], $0x4000, $0x38;
	[tilespmem:$0x4000] =	vst v63  }
0xc6: {  	_ =	swait.ge [sflag:s8], $0x4000  }
0xc7: {  	[sflag:s8] =	ssyncset.done $0x0  }
0xc8: {  	s10 =	sadd.s32 $0x4000, s10;
	[sflag:s8] =	ssyncadd.s32 $0xFFFFC000  }
0xc9: {  	s9 =	sadd.s32 $0x1, s9  }
0xca: {  	p0 =	sne.s32 s9, s5  }
.Ltmp2:
0xcb: {  	_ = 	snop;
	(pc) =	sbr.rel @p0 .LBB2_1-.Ltmp2, $1  }
0xcc: {  	_ =	sdelay $0x3  }
0xcd: {  	_ =	sfence.sel $0x180000  }
0xce: {  	[bflag:$0x0] =	sbarrier.arrive $0xFFFF  }
0xcf: {  	p0 =	sne.s32 s1, $0x0;
	_ =	strace $0x90000047  }
0xd0: {  	s0 =	sadd.s32 @!p0 $0x100000, s0;
	[bflag:$0x2] =	sbarrier.arrive $0xFFFF  }
0xd1: {  	[sflag:s0] =	ssyncadd.tile.s32 @!p0 $0x1;
	_ =	shalt  }
.Lfunc_end2:
_tile_overlayer_lowered:
.L_overlay_start_2:
0xd2: {  	(tag) =	ssettag $0x2  }
0xd3: {  	s0 =	rddreg [dreg:$0x0];
	s2 =	stileid.u32  }
0xd4: {  	s1 =	rddreg [dreg:$0x1];
	p0 =	sne.s32 s2, $0x0  }
0xd5: {  	s3 =	rddreg [dreg:$0x2];
	[bflag:$0x3] =	sbarrier.arrive $0xFFFF;
	s2 =	simm.s32 @!p0 $0x1C01  }
0xd6: {  	[timem:s3], [sflag:s2] =	dma.local @!p0 [hbm:s0], s1  }
0xd7: {  	s0 =	simm.s32 @!p0 $0x1  }
0xd8: {  	_ =	swait.ge @!p0 [sflag:s0], s1  }
0xd9: {  	s1 =	ssub.s32 @!p0 $0x0, s1;
	[sflag:s0] =	ssyncset.done @!p0 $0x0  }
0xda: {  	[sflag:s0] =	ssyncadd.s32 @!p0 s1  }
0xdb: {  	[bflag:$0x3] =	sbarrier.arrive $0xFFFF  }
0xdc: {  	_ =	shalt  }

</sc_bundles>
